<compile_context>
chip_gen: v7x
topology: tpu7x:2x2x1
jax: 0.10.2.dev20260603
libtpu: 0.0.44.dev20260713+nightly
codegen_flags: <defaults>
</compile_context>

<pallas_src>
import functools

import jax
import jax.numpy as jnp
from jax import lax
from jax.experimental import pallas as pl
from jax.experimental.pallas import tpu as pltpu
from jax.experimental.pallas import tpu_sc as plsc

N_BATCH = 4
N_CLASSES = 19
SP = 512 * 512
N_PIX = N_BATCH * SP
TOPK = int(0.8 * N_PIX)

N_SPLIT = 1
B_SPLIT = N_BATCH // N_SPLIT
PIX_SPLIT = N_PIX // N_SPLIT

NW = 32
CHUNK = PIX_SPLIT // NW
LANES = 16
VECS = CHUNK // LANES
BIN_SHIFT = 17
NBINS = 1 << (31 - BIN_SHIFT)
BIN_VECS = NBINS // LANES


R_CE = 256


def _ce_body(p_ref, t_ref, o_ref):
    p = p_ref[...]
    t = t_ref[...][:, None, :, :]
    m = jnp.max(p, axis=1, keepdims=True)
    s = jnp.sum(jnp.exp(p - m), axis=1, keepdims=True)
    cls = lax.broadcasted_iota(jnp.int32, p.shape, 1)
    pt = jnp.sum(jnp.where(cls == t, p, 0.0), axis=1, keepdims=True)
    o_ref[...] = (m + jnp.log(s) - pt)[:, 0, :, :]


_ce = pl.pallas_call(
    _ce_body,
    grid=(B_SPLIT, 512 // R_CE),
    in_specs=[
        pl.BlockSpec((1, N_CLASSES, R_CE, 512), lambda b, j: (b, 0, j, 0)),
        pl.BlockSpec((1, R_CE, 512), lambda b, j: (b, j, 0)),
    ],
    out_specs=pl.BlockSpec((1, R_CE, 512), lambda b, j: (b, j, 0)),
    out_shape=jax.ShapeDtypeStruct((B_SPLIT, 512, 512), jnp.float32),
    compiler_params=pltpu.CompilerParams(
        dimension_semantics=("parallel", "parallel")
    ),
)


def _sc_hist_body(loss_hbm, cnt_hbm, sum_hbm, sem, data_v, cnt_v, sum_v):
    wid = lax.axis_index("s") * 2 + lax.axis_index("c")
    copy = pltpu.async_copy(
        loss_hbm.at[pl.ds(wid * CHUNK, CHUNK)], data_v, sem
    )

    zeros = jnp.zeros((LANES,), jnp.float32)

    @plsc.parallel_loop(0, NBINS, LANES, unroll=8)
    def _(off):
        cnt_v[pl.ds(off, LANES)] = zeros
        sum_v[pl.ds(off, LANES)] = zeros

    copy.wait()

    ones = jnp.full((LANES,), 1.0, jnp.float32)
    izero = jnp.zeros((LANES,), jnp.int32)

    @plsc.parallel_loop(0, CHUNK, LANES, unroll=16)
    def _(off):
        v = data_v[pl.ds(off, LANES)]
        bits = lax.bitcast_convert_type(v, jnp.int32)
        bins = lax.shift_right_logical(lax.max(bits, izero), BIN_SHIFT)
        plsc.addupdate_scatter(cnt_v, [bins], ones)
        plsc.addupdate_scatter(sum_v, [bins], v)

    pltpu.sync_copy(cnt_v, cnt_hbm.at[pl.ds(wid * NBINS, NBINS)])
    pltpu.sync_copy(sum_v, sum_hbm.at[pl.ds(wid * NBINS, NBINS)])


@functools.cache
def _sc_hist():
    return pl.kernel(
        _sc_hist_body,
        mesh=plsc.VectorSubcoreMesh(core_axis_name="c", subcore_axis_name="s"),
        out_type=[
            jax.ShapeDtypeStruct((NW * NBINS,), jnp.float32),
            jax.ShapeDtypeStruct((NW * NBINS,), jnp.float32),
        ],
        scratch_types=[
            pltpu.SemaphoreType.DMA,
            pltpu.VMEM((CHUNK,), jnp.float32),
            pltpu.VMEM((NBINS,), jnp.float32),
            pltpu.VMEM((NBINS,), jnp.float32),
        ],
        compiler_params=pltpu.CompilerParams(needs_layout_passes=False),
    )


def _cumsum_shift(x, axis):
    n = x.shape[axis]
    sh = 1
    while sh < n:
        zeros = lax.slice_in_dim(jnp.zeros_like(x), 0, sh, axis=axis)
        shifted = lax.slice_in_dim(x, 0, n - sh, axis=axis)
        x = x + lax.concatenate([zeros, shifted], dimension=axis)
        sh *= 2
    return x


def _sel_body(c0_ref, s0_ref, o_ref):
    c = jnp.sum(c0_ref[...], axis=0)
    s = jnp.sum(s0_ref[...], axis=0)
    ce0 = _cumsum_shift(c, 0) - c
    row_off = jnp.sum(ce0, axis=1, keepdims=True)
    pe = (_cumsum_shift(c, 1) - c) + row_off
    total = jnp.sum(c)
    suf = total - pe
    r = lax.broadcasted_iota(jnp.int32, c.shape, 0)
    l = lax.broadcasted_iota(jnp.int32, c.shape, 1)
    bidx = r * 128 + l
    kf = jnp.float32(TOPK)
    bsel = jnp.max(jnp.where(suf >= kf, bidx, -1))
    above = bidx > bsel
    at = bidx == bsel
    c_above = jnp.sum(jnp.where(above, c, 0.0))
    s_above = jnp.sum(jnp.where(above, s, 0.0))
    c_bin = jnp.sum(jnp.where(at, c, 0.0))
    s_bin = jnp.sum(jnp.where(at, s, 0.0))
    m = kf - c_above
    res = (s_above + m * (s_bin / jnp.maximum(c_bin, 1.0))) / kf
    o_ref[...] = jnp.broadcast_to(res, (1, 1))


_sel = pl.pallas_call(
    _sel_body,
    in_specs=[
        pl.BlockSpec((NW, NBINS // 128, 128), lambda: (0, 0, 0))
        for _ in range(2)
    ],
    out_specs=pl.BlockSpec((1, 1), lambda: (0, 0)),
    out_shape=jax.ShapeDtypeStruct((1, 1), jnp.float32),
)


def kernel(preds, targets):
    t = targets.astype(jnp.int32)
    loss = _ce(preds, t).reshape(N_PIX)
    cnt, sm = _sc_hist()(loss)
    out = _sel(
        cnt.reshape(NW, NBINS // 128, 128), sm.reshape(NW, NBINS // 128, 128)
    )
    return out[0, 0]

# --- scband reference (transcript-rebuilt; emitter-appended) ---
"""Pipeline reference for scband-tpacriterion-11458972746058 (READ-ONLY COPY).

The authoritative reference and input builder live on the scoring server;
editing this copy changes nothing except your own understanding.
"""

import jax, jax.numpy as jnp
import numpy as np

TOP_K_PERCENT = 0.8

def setup_inputs(seed: int = 0) -> dict:
    key = jax.random.key(seed)
    k1, k2 = jax.random.split(key)
    preds = jax.random.normal(k1, (4, 19, 512, 512), dtype=jnp.float32)
    targets = jax.random.randint(k2, (4, 512, 512), 0, 19, dtype=jnp.int64)
    return {"preds": preds, "targets": targets}

def reference(preds, targets):
    n_classes = preds.shape[1]
    # permute (0,2,3,1) then flatten to [N, C]
    p = jnp.transpose(preds, (0, 2, 3, 1)).reshape(-1, n_classes)
    t = targets.reshape(-1)
    # cross_entropy with reduction='none'
    logp = jax.nn.log_softmax(p, axis=-1)
    loss = -jnp.take_along_axis(logp, t[:, None], axis=-1)[:, 0]
    # sort descending
    sorted_loss = jnp.sort(loss)[::-1]
    num_keep = int(TOP_K_PERCENT * loss.size)
    top_loss = sorted_loss[:num_keep]
    return jnp.mean(top_loss)

if __name__ == "__main__":
    import jax
    _d = setup_inputs()
    print(jax.jit(kernel)(*tuple(_d.values())))

</pallas_src>

<mosaic_0001>
#map = affine_map<(d0, d1) -> (0)>
module attributes {stable_mosaic.version = 14 : i64} {
  func.func @_sc_hist_body(%arg0: i32, %arg1: i32, %arg2: memref<1048576xf32, #tpu.memory_space<hbm>>, %arg3: memref<524288xf32, #tpu.memory_space<hbm>>, %arg4: memref<524288xf32, #tpu.memory_space<hbm>>, %arg5: memref<!tpu.dma_semaphore, #tpu.memory_space<semaphore_mem>>, %arg6: memref<32768xf32, #tpu.memory_space<vmem>>, %arg7: memref<16384xf32, #tpu.memory_space<vmem>>, %arg8: memref<16384xf32, #tpu.memory_space<vmem>>) attributes {dimension_semantics = [#tpu.dimension_semantics<core_parallel>, #tpu.dimension_semantics<subcore_parallel>], iteration_bounds = array<i64: 2, 16>, scalar_prefetch = 0 : i64, scratch_operands = 4 : i64, tpu.core_type = #tpu.core_type<sc_vector_subcore>, window_params = [{transform_indices = #map}, {transform_indices = #map}, {transform_indices = #map}]} {
    %mul3A = arith.constant 2 : i32
    %mul3A_0 = arith.muli %arg1, %mul3A : i32
    %add3A = arith.addi %mul3A_0, %arg0 : i32
    %mul3A_1 = arith.constant 32768 : i32
    %mul3A_2 = arith.muli %add3A, %mul3A_1 : i32
    %dma_start3A = tpu.memref_slice %arg2[%mul3A_2] : memref<1048576xf32, #tpu.memory_space<hbm>> -> memref<32768xf32, #tpu.memory_space<hbm>>
    %dma_start3A_3 = tpu.memref_slice %arg2[%mul3A_2] : memref<1048576xf32, #tpu.memory_space<hbm>> -> memref<32768xf32, #tpu.memory_space<hbm>>
    tpu.enqueue_dma source(%dma_start3A_3 : memref<32768xf32, #tpu.memory_space<hbm>>) target(%arg6 : memref<32768xf32, #tpu.memory_space<vmem>>) target_semaphore(%arg5 : memref<!tpu.dma_semaphore, #tpu.memory_space<semaphore_mem>>)
    %broadcast_in_dim3A = arith.constant 0.000000e+00 : f32
    %broadcast_in_dim3A_4 = vector.broadcast %broadcast_in_dim3A : f32 to vector<16xf32>
    %parallel_loop3A = arith.constant 0 : i32
    %parallel_loop3A_5 = arith.constant 16384 : i32
    %parallel_loop3A_6 = arith.constant 16 : i32
    scf.for %parallel_loop3A_19 = %parallel_loop3A to %parallel_loop3A_5 step %parallel_loop3A_6  : i32 {
      %parallel_loop3A_20 = arith.index_cast %parallel_loop3A_19 : i32 to index
      %parallel_loop3A_21 = tpu.vector_load %arg7[%parallel_loop3A_20] {strides = array<i32>} : memref<16384xf32, #tpu.memory_space<vmem>>, vector<16xf32>,
      tpu.vector_store %arg7[%parallel_loop3A_20], %broadcast_in_dim3A_4 {strides = array<i32>} : memref<16384xf32, #tpu.memory_space<vmem>>, vector<16xf32>,
      %parallel_loop3A_22 = arith.index_cast %parallel_loop3A_19 : i32 to index
      %parallel_loop3A_23 = tpu.vector_load %arg8[%parallel_loop3A_22] {strides = array<i32>} : memref<16384xf32, #tpu.memory_space<vmem>>, vector<16xf32>,
      tpu.vector_store %arg8[%parallel_loop3A_22], %broadcast_in_dim3A_4 {strides = array<i32>} : memref<16384xf32, #tpu.memory_space<vmem>>, vector<16xf32>,
    } {sc.loop_unroll_factor = 8 : i64, sc.parallel_access}
    %dma_wait3A = tpu.memref_slice %arg2[%mul3A_2] : memref<1048576xf32, #tpu.memory_space<hbm>> -> memref<32768xf32, #tpu.memory_space<hbm>>
    %dma_wait3A_7 = tpu.memref_slice %arg2[%mul3A_2] : memref<1048576xf32, #tpu.memory_space<hbm>> -> memref<32768xf32, #tpu.memory_space<hbm>>
    tpu.wait_dma2 semaphore(%arg5 : memref<!tpu.dma_semaphore, #tpu.memory_space<semaphore_mem>>) src(%dma_wait3A_7 : memref<32768xf32, #tpu.memory_space<hbm>>) dst(%arg6 : memref<32768xf32, #tpu.memory_space<vmem>>)
    %broadcast_in_dim3A_8 = arith.constant 1.000000e+00 : f32
    %broadcast_in_dim3A_9 = vector.broadcast %broadcast_in_dim3A_8 : f32 to vector<16xf32>
    %broadcast_in_dim3A_10 = arith.constant 0 : i32
    %broadcast_in_dim3A_11 = vector.broadcast %broadcast_in_dim3A_10 : i32 to vector<16xi32>
    %parallel_loop3A_12 = arith.constant 0 : i32
    %parallel_loop3A_13 = arith.constant 32768 : i32
    %parallel_loop3A_14 = arith.constant 16 : i32
    scf.for %parallel_loop3A_19 = %parallel_loop3A_12 to %parallel_loop3A_13 step %parallel_loop3A_14  : i32 {
      %parallel_loop3A_20 = arith.index_cast %parallel_loop3A_19 : i32 to index
      %parallel_loop3A_21 = tpu.vector_load %arg6[%parallel_loop3A_20] {strides = array<i32>} : memref<32768xf32, #tpu.memory_space<vmem>>, vector<16xf32>,
      %parallel_loop3A_22 = tpu.bitcast %parallel_loop3A_21 : vector<16xf32> -> vector<16xi32>
      %parallel_loop3A_23 = arith.maxsi %parallel_loop3A_22, %broadcast_in_dim3A_11 : vector<16xi32>
      %parallel_loop3A_24 = arith.constant 17 : i32
      %parallel_loop3A_25 = vector.broadcast %parallel_loop3A_24 : i32 to vector<16xi32>
      %parallel_loop3A_26 = arith.shrui %parallel_loop3A_23, %parallel_loop3A_25 : vector<16xi32>
      tpu.vector_store_idx %arg7[%parallel_loop3A_26], %broadcast_in_dim3A_9 {add = true} : memref<16384xf32, #tpu.memory_space<vmem>>[vector<16xi32>], vector<16xf32>,
      tpu.vector_store_idx %arg8[%parallel_loop3A_26], %parallel_loop3A_21 {add = true} : memref<16384xf32, #tpu.memory_space<vmem>>[vector<16xi32>], vector<16xf32>,
    } {sc.loop_unroll_factor = 16 : i64, sc.parallel_access}
    %mul3A_15 = arith.constant 16384 : i32
    %mul3A_16 = arith.muli %add3A, %mul3A_15 : i32
    "tpu.region"() ({
      %run_scoped3A = tpu.sem_alloc : memref<!tpu.dma_semaphore, #tpu.memory_space<semaphore_mem>>
      %dma_start3A_19 = tpu.memref_slice %arg3[%mul3A_16] : memref<524288xf32, #tpu.memory_space<hbm>> -> memref<16384xf32, #tpu.memory_space<hbm>>
      %dma_start3A_20 = tpu.memref_slice %arg3[%mul3A_16] : memref<524288xf32, #tpu.memory_space<hbm>> -> memref<16384xf32, #tpu.memory_space<hbm>>
      tpu.enqueue_dma source(%arg7 : memref<16384xf32, #tpu.memory_space<vmem>>) target(%dma_start3A_20 : memref<16384xf32, #tpu.memory_space<hbm>>) target_semaphore(%run_scoped3A : memref<!tpu.dma_semaphore, #tpu.memory_space<semaphore_mem>>)
      %dma_wait3A_21 = tpu.memref_slice %arg3[%mul3A_16] : memref<524288xf32, #tpu.memory_space<hbm>> -> memref<16384xf32, #tpu.memory_space<hbm>>
      %dma_wait3A_22 = tpu.memref_slice %arg3[%mul3A_16] : memref<524288xf32, #tpu.memory_space<hbm>> -> memref<16384xf32, #tpu.memory_space<hbm>>
      tpu.wait_dma2 semaphore(%run_scoped3A : memref<!tpu.dma_semaphore, #tpu.memory_space<semaphore_mem>>) src(%arg7 : memref<16384xf32, #tpu.memory_space<vmem>>) dst(%dma_wait3A_22 : memref<16384xf32, #tpu.memory_space<hbm>>)
      tpu.yield
    }) : () -> ()
    %mul3A_17 = arith.constant 16384 : i32
    %mul3A_18 = arith.muli %add3A, %mul3A_17 : i32
    "tpu.region"() ({
      %run_scoped3A = tpu.sem_alloc : memref<!tpu.dma_semaphore, #tpu.memory_space<semaphore_mem>>
      %dma_start3A_19 = tpu.memref_slice %arg4[%mul3A_18] : memref<524288xf32, #tpu.memory_space<hbm>> -> memref<16384xf32, #tpu.memory_space<hbm>>
      %dma_start3A_20 = tpu.memref_slice %arg4[%mul3A_18] : memref<524288xf32, #tpu.memory_space<hbm>> -> memref<16384xf32, #tpu.memory_space<hbm>>
      tpu.enqueue_dma source(%arg8 : memref<16384xf32, #tpu.memory_space<vmem>>) target(%dma_start3A_20 : memref<16384xf32, #tpu.memory_space<hbm>>) target_semaphore(%run_scoped3A : memref<!tpu.dma_semaphore, #tpu.memory_space<semaphore_mem>>)
      %dma_wait3A_21 = tpu.memref_slice %arg4[%mul3A_18] : memref<524288xf32, #tpu.memory_space<hbm>> -> memref<16384xf32, #tpu.memory_space<hbm>>
      %dma_wait3A_22 = tpu.memref_slice %arg4[%mul3A_18] : memref<524288xf32, #tpu.memory_space<hbm>> -> memref<16384xf32, #tpu.memory_space<hbm>>
      tpu.wait_dma2 semaphore(%run_scoped3A : memref<!tpu.dma_semaphore, #tpu.memory_space<semaphore_mem>>) src(%arg8 : memref<16384xf32, #tpu.memory_space<vmem>>) dst(%dma_wait3A_22 : memref<16384xf32, #tpu.memory_space<hbm>>)
      tpu.yield
    }) : () -> ()
    return
  }
}

module attributes {stable_mosaic.version = 14 : i64} {
  func.func @_ce_body(%arg0: i32, %arg1: i32, %arg2: memref<1x19x256x512xf32, #tpu.memory_space<vmem>>, %arg3: memref<1x256x512xi32, #tpu.memory_space<vmem>>, %arg4: memref<1x256x512xf32, #tpu.memory_space<vmem>>) attributes {dimension_semantics = [#tpu.dimension_semantics<parallel>, #tpu.dimension_semantics<parallel>], iteration_bounds = array<i64: 4, 2>, scalar_prefetch = 0 : i64, scratch_operands = 0 : i64, tpu.core_type = #tpu.core_type<tc>, window_params = [{transform_indices = @transform_0, window_bounds = array<i64: 1, 19, 256, 512>}, {transform_indices = @transform_1, window_bounds = array<i64: 1, 256, 512>}, {transform_indices = @transform_2, window_bounds = array<i64: 1, 256, 512>}]} {
    %get3A = arith.constant 0 : index
    %get3A_0 = arith.constant 0 : index
    %get3A_1 = arith.constant 0 : index
    %get3A_2 = arith.constant 0 : index
    %get3A_3 = vector.load %arg2[%get3A, %get3A_0, %get3A_1, %get3A_2] : memref<1x19x256x512xf32, #tpu.memory_space<vmem>>, vector<1x19x256x512xf32>
    %get3A_4 = arith.constant 0 : index
    %get3A_5 = arith.constant 0 : index
    %get3A_6 = arith.constant 0 : index
    %get3A_7 = vector.load %arg3[%get3A_4, %get3A_5, %get3A_6] : memref<1x256x512xi32, #tpu.memory_space<vmem>>, vector<1x256x512xi32>
    %broadcast_in_dim3A = vector.shape_cast %get3A_7 : vector<1x256x512xi32> to vector<1x1x256x512xi32>
    %reduce_max3A = arith.constant dense<0xFF800000> : vector<1x256x512xf32>
    %reduce_max3A_8 = vector.multi_reduction <maximumf>, %get3A_3, %reduce_max3A [1] : vector<1x19x256x512xf32> to vector<1x256x512xf32>
    %broadcast_in_dim3A_9 = vector.shape_cast %reduce_max3A_8 : vector<1x256x512xf32> to vector<1x1x256x512xf32>
    %sub3A = vector.broadcast %broadcast_in_dim3A_9 : vector<1x1x256x512xf32> to vector<1x19x256x512xf32>
    %sub3A_10 = arith.subf %get3A_3, %sub3A : vector<1x19x256x512xf32>
    %exp3A = math.exp %sub3A_10 : vector<1x19x256x512xf32>
    %reduce_sum3A = arith.constant dense<0.000000e+00> : vector<1x256x512xf32>
    %reduce_sum3A_11 = vector.multi_reduction <add>, %exp3A, %reduce_sum3A [1] : vector<1x19x256x512xf32> to vector<1x256x512xf32>
    %broadcast_in_dim3A_12 = vector.shape_cast %reduce_sum3A_11 : vector<1x256x512xf32> to vector<1x1x256x512xf32>
    %iota3A = tpu.iota {dimensions = array<i32: 1>} : vector<1x19x256x512xi32>
    %eq3A = vector.broadcast %broadcast_in_dim3A : vector<1x1x256x512xi32> to vector<1x19x256x512xi32>
    %eq3A_13 = arith.cmpi eq, %iota3A, %eq3A : vector<1x19x256x512xi32>
    %jit3A = arith.constant 0.000000e+00 : f32
    %broadcast_in_dim3A_14 = vector.broadcast %jit3A : f32 to vector<1x19x256x512xf32>
    %select_n3A = arith.select %eq3A_13, %get3A_3, %broadcast_in_dim3A_14 : vector<1x19x256x512xi1>, vector<1x19x256x512xf32>
    %reduce_sum3A_15 = arith.constant dense<0.000000e+00> : vector<1x256x512xf32>
    %reduce_sum3A_16 = vector.multi_reduction <add>, %select_n3A, %reduce_sum3A_15 [1] : vector<1x19x256x512xf32> to vector<1x256x512xf32>
    %broadcast_in_dim3A_17 = vector.shape_cast %reduce_sum3A_16 : vector<1x256x512xf32> to vector<1x1x256x512xf32>
    %log3A = math.log %broadcast_in_dim3A_12 : vector<1x1x256x512xf32>
    %add3A = arith.addf %broadcast_in_dim3A_9, %log3A : vector<1x1x256x512xf32>
    %sub3A_18 = arith.subf %add3A, %broadcast_in_dim3A_17 : vector<1x1x256x512xf32>
    %squeeze3A = vector.shape_cast %sub3A_18 : vector<1x1x256x512xf32> to vector<1x256x512xf32>
    %swap3A = arith.constant 0 : index
    %swap3A_19 = arith.constant 0 : index
    %swap3A_20 = arith.constant 0 : index
    %swap3A_21 = vector.load %arg4[%swap3A, %swap3A_19, %swap3A_20] : memref<1x256x512xf32, #tpu.memory_space<vmem>>, vector<1x256x512xf32>
    tpu.vector_store %arg4[%swap3A, %swap3A_19, %swap3A_20], %squeeze3A {strides = array<i32>} : memref<1x256x512xf32, #tpu.memory_space<vmem>>, vector<1x256x512xf32>,
    return
  }
  func.func @transform_0(%arg0: i32, %arg1: i32) -> (i32, i32, i32, i32) {
    %c0_i32 = arith.constant 0 : i32
    %c0_i32_0 = arith.constant 0 : i32
    %c0_i32_1 = arith.constant 0 : i32
    return %arg0, %c0_i32, %arg1, %c0_i32_0 : i32, i32, i32, i32
  }
  func.func @transform_1(%arg0: i32, %arg1: i32) -> (i32, i32, i32) {
    %c0_i32 = arith.constant 0 : i32
    %c0_i32_0 = arith.constant 0 : i32
    return %arg0, %arg1, %c0_i32 : i32, i32, i32
  }
  func.func @transform_2(%arg0: i32, %arg1: i32) -> (i32, i32, i32) {
    %c0_i32 = arith.constant 0 : i32
    %c0_i32_0 = arith.constant 0 : i32
    return %arg0, %arg1, %c0_i32 : i32, i32, i32
  }
}

module attributes {stable_mosaic.version = 14 : i64} {
  func.func @_sel_body(%arg0: memref<32x128x128xf32, #tpu.memory_space<vmem>>, %arg1: memref<32x128x128xf32, #tpu.memory_space<vmem>>, %arg2: memref<1x1xf32, #tpu.memory_space<vmem>>) attributes {dimension_semantics = [], scalar_prefetch = 0 : i64, scratch_operands = 0 : i64, tpu.core_type = #tpu.core_type<tc>} {
    %get3A = arith.constant 0 : index
    %get3A_0 = arith.constant 0 : index
    %get3A_1 = arith.constant 0 : index
    %get3A_2 = vector.load %arg0[%get3A, %get3A_0, %get3A_1] : memref<32x128x128xf32, #tpu.memory_space<vmem>>, vector<32x128x128xf32>
    %reduce_sum3A = arith.constant dense<0.000000e+00> : vector<128x128xf32>
    %reduce_sum3A_3 = vector.multi_reduction <add>, %get3A_2, %reduce_sum3A [0] : vector<32x128x128xf32> to vector<128x128xf32>
    %get3A_4 = arith.constant 0 : index
    %get3A_5 = arith.constant 0 : index
    %get3A_6 = arith.constant 0 : index
    %get3A_7 = vector.load %arg1[%get3A_4, %get3A_5, %get3A_6] : memref<32x128x128xf32, #tpu.memory_space<vmem>>, vector<32x128x128xf32>
    %reduce_sum3A_8 = arith.constant dense<0.000000e+00> : vector<128x128xf32>
    %reduce_sum3A_9 = vector.multi_reduction <add>, %get3A_7, %reduce_sum3A_8 [0] : vector<32x128x128xf32> to vector<128x128xf32>
    %broadcast_in_dim3A = arith.constant 0.000000e+00 : f32
    %broadcast_in_dim3A_10 = vector.broadcast %broadcast_in_dim3A : f32 to vector<128x128xf32>
    %slice3A = vector.extract_strided_slice %broadcast_in_dim3A_10 {offsets = [0, 0], sizes = [1, 128], strides = [1, 1]} : vector<128x128xf32> to vector<1x128xf32>
    %slice3A_11 = vector.extract_strided_slice %reduce_sum3A_3 {offsets = [0, 0], sizes = [127, 128], strides = [1, 1]} : vector<128x128xf32> to vector<127x128xf32>
    %concatenate3A = tpu.concatenate %slice3A, %slice3A_11 in 0 : vector<1x128xf32>, vector<127x128xf32> -> vector<128x128xf32>
    %add3A = arith.addf %reduce_sum3A_3, %concatenate3A : vector<128x128xf32>
    %broadcast_in_dim3A_12 = arith.constant 0.000000e+00 : f32
    %broadcast_in_dim3A_13 = vector.broadcast %broadcast_in_dim3A_12 : f32 to vector<128x128xf32>
    %slice3A_14 = vector.extract_strided_slice %broadcast_in_dim3A_13 {offsets = [0, 0], sizes = [2, 128], strides = [1, 1]} : vector<128x128xf32> to vector<2x128xf32>
    %slice3A_15 = vector.extract_strided_slice %add3A {offsets = [0, 0], sizes = [126, 128], strides = [1, 1]} : vector<128x128xf32> to vector<126x128xf32>
    %concatenate3A_16 = tpu.concatenate %slice3A_14, %slice3A_15 in 0 : vector<2x128xf32>, vector<126x128xf32> -> vector<128x128xf32>
    %add3A_17 = arith.addf %add3A, %concatenate3A_16 : vector<128x128xf32>
    %broadcast_in_dim3A_18 = arith.constant 0.000000e+00 : f32
    %broadcast_in_dim3A_19 = vector.broadcast %broadcast_in_dim3A_18 : f32 to vector<128x128xf32>
    %slice3A_20 = vector.extract_strided_slice %broadcast_in_dim3A_19 {offsets = [0, 0], sizes = [4, 128], strides = [1, 1]} : vector<128x128xf32> to vector<4x128xf32>
    %slice3A_21 = vector.extract_strided_slice %add3A_17 {offsets = [0, 0], sizes = [124, 128], strides = [1, 1]} : vector<128x128xf32> to vector<124x128xf32>
    %concatenate3A_22 = tpu.concatenate %slice3A_20, %slice3A_21 in 0 : vector<4x128xf32>, vector<124x128xf32> -> vector<128x128xf32>
    %add3A_23 = arith.addf %add3A_17, %concatenate3A_22 : vector<128x128xf32>
    %broadcast_in_dim3A_24 = arith.constant 0.000000e+00 : f32
    %broadcast_in_dim3A_25 = vector.broadcast %broadcast_in_dim3A_24 : f32 to vector<128x128xf32>
    %slice3A_26 = vector.extract_strided_slice %broadcast_in_dim3A_25 {offsets = [0, 0], sizes = [8, 128], strides = [1, 1]} : vector<128x128xf32> to vector<8x128xf32>
    %slice3A_27 = vector.extract_strided_slice %add3A_23 {offsets = [0, 0], sizes = [120, 128], strides = [1, 1]} : vector<128x128xf32> to vector<120x128xf32>
    %concatenate3A_28 = tpu.concatenate %slice3A_26, %slice3A_27 in 0 : vector<8x128xf32>, vector<120x128xf32> -> vector<128x128xf32>
    %add3A_29 = arith.addf %add3A_23, %concatenate3A_28 : vector<128x128xf32>
    %broadcast_in_dim3A_30 = arith.constant 0.000000e+00 : f32
    %broadcast_in_dim3A_31 = vector.broadcast %broadcast_in_dim3A_30 : f32 to vector<128x128xf32>
    %slice3A_32 = vector.extract_strided_slice %broadcast_in_dim3A_31 {offsets = [0, 0], sizes = [16, 128], strides = [1, 1]} : vector<128x128xf32> to vector<16x128xf32>
    %slice3A_33 = vector.extract_strided_slice %add3A_29 {offsets = [0, 0], sizes = [112, 128], strides = [1, 1]} : vector<128x128xf32> to vector<112x128xf32>
    %concatenate3A_34 = tpu.concatenate %slice3A_32, %slice3A_33 in 0 : vector<16x128xf32>, vector<112x128xf32> -> vector<128x128xf32>
    %add3A_35 = arith.addf %add3A_29, %concatenate3A_34 : vector<128x128xf32>
    %broadcast_in_dim3A_36 = arith.constant 0.000000e+00 : f32
    %broadcast_in_dim3A_37 = vector.broadcast %broadcast_in_dim3A_36 : f32 to vector<128x128xf32>
    %slice3A_38 = vector.extract_strided_slice %broadcast_in_dim3A_37 {offsets = [0, 0], sizes = [32, 128], strides = [1, 1]} : vector<128x128xf32> to vector<32x128xf32>
    %slice3A_39 = vector.extract_strided_slice %add3A_35 {offsets = [0, 0], sizes = [96, 128], strides = [1, 1]} : vector<128x128xf32> to vector<96x128xf32>
    %concatenate3A_40 = tpu.concatenate %slice3A_38, %slice3A_39 in 0 : vector<32x128xf32>, vector<96x128xf32> -> vector<128x128xf32>
    %add3A_41 = arith.addf %add3A_35, %concatenate3A_40 : vector<128x128xf32>
    %broadcast_in_dim3A_42 = arith.constant 0.000000e+00 : f32
    %broadcast_in_dim3A_43 = vector.broadcast %broadcast_in_dim3A_42 : f32 to vector<128x128xf32>
    %slice3A_44 = vector.extract_strided_slice %broadcast_in_dim3A_43 {offsets = [0, 0], sizes = [64, 128], strides = [1, 1]} : vector<128x128xf32> to vector<64x128xf32>
    %slice3A_45 = vector.extract_strided_slice %add3A_41 {offsets = [0, 0], sizes = [64, 128], strides = [1, 1]} : vector<128x128xf32> to vector<64x128xf32>
    %concatenate3A_46 = tpu.concatenate %slice3A_44, %slice3A_45 in 0 : vector<64x128xf32>, vector<64x128xf32> -> vector<128x128xf32>
    %add3A_47 = arith.addf %add3A_41, %concatenate3A_46 : vector<128x128xf32>
    %sub3A = arith.subf %add3A_47, %reduce_sum3A_3 : vector<128x128xf32>
    %reduce_sum3A_48 = arith.constant dense<0.000000e+00> : vector<128xf32>
    %reduce_sum3A_49 = vector.multi_reduction <add>, %sub3A, %reduce_sum3A_48 [1] : vector<128x128xf32> to vector<128xf32>
    %broadcast_in_dim3A_50 = vector.shape_cast %reduce_sum3A_49 : vector<128xf32> to vector<128x1xf32>
    %broadcast_in_dim3A_51 = arith.constant 0.000000e+00 : f32
    %broadcast_in_dim3A_52 = vector.broadcast %broadcast_in_dim3A_51 : f32 to vector<128x128xf32>
    %slice3A_53 = vector.extract_strided_slice %broadcast_in_dim3A_52 {offsets = [0, 0], sizes = [128, 1], strides = [1, 1]} : vector<128x128xf32> to vector<128x1xf32>
    %slice3A_54 = vector.extract_strided_slice %reduce_sum3A_3 {offsets = [0, 0], sizes = [128, 127], strides = [1, 1]} : vector<128x128xf32> to vector<128x127xf32>
    %concatenate3A_55 = tpu.concatenate %slice3A_53, %slice3A_54 in 1 : vector<128x1xf32>, vector<128x127xf32> -> vector<128x128xf32>
    %add3A_56 = arith.addf %reduce_sum3A_3, %concatenate3A_55 : vector<128x128xf32>
    %broadcast_in_dim3A_57 = arith.constant 0.000000e+00 : f32
    %broadcast_in_dim3A_58 = vector.broadcast %broadcast_in_dim3A_57 : f32 to vector<128x128xf32>
    %slice3A_59 = vector.extract_strided_slice %broadcast_in_dim3A_58 {offsets = [0, 0], sizes = [128, 2], strides = [1, 1]} : vector<128x128xf32> to vector<128x2xf32>
    %slice3A_60 = vector.extract_strided_slice %add3A_56 {offsets = [0, 0], sizes = [128, 126], strides = [1, 1]} : vector<128x128xf32> to vector<128x126xf32>
    %concatenate3A_61 = tpu.concatenate %slice3A_59, %slice3A_60 in 1 : vector<128x2xf32>, vector<128x126xf32> -> vector<128x128xf32>
    %add3A_62 = arith.addf %add3A_56, %concatenate3A_61 : vector<128x128xf32>
    %broadcast_in_dim3A_63 = arith.constant 0.000000e+00 : f32
    %broadcast_in_dim3A_64 = vector.broadcast %broadcast_in_dim3A_63 : f32 to vector<128x128xf32>
    %slice3A_65 = vector.extract_strided_slice %broadcast_in_dim3A_64 {offsets = [0, 0], sizes = [128, 4], strides = [1, 1]} : vector<128x128xf32> to vector<128x4xf32>
    %slice3A_66 = vector.extract_strided_slice %add3A_62 {offsets = [0, 0], sizes = [128, 124], strides = [1, 1]} : vector<128x128xf32> to vector<128x124xf32>
    %concatenate3A_67 = tpu.concatenate %slice3A_65, %slice3A_66 in 1 : vector<128x4xf32>, vector<128x124xf32> -> vector<128x128xf32>
    %add3A_68 = arith.addf %add3A_62, %concatenate3A_67 : vector<128x128xf32>
    %broadcast_in_dim3A_69 = arith.constant 0.000000e+00 : f32
    %broadcast_in_dim3A_70 = vector.broadcast %broadcast_in_dim3A_69 : f32 to vector<128x128xf32>
    %slice3A_71 = vector.extract_strided_slice %broadcast_in_dim3A_70 {offsets = [0, 0], sizes = [128, 8], strides = [1, 1]} : vector<128x128xf32> to vector<128x8xf32>
    %slice3A_72 = vector.extract_strided_slice %add3A_68 {offsets = [0, 0], sizes = [128, 120], strides = [1, 1]} : vector<128x128xf32> to vector<128x120xf32>
    %concatenate3A_73 = tpu.concatenate %slice3A_71, %slice3A_72 in 1 : vector<128x8xf32>, vector<128x120xf32> -> vector<128x128xf32>
    %add3A_74 = arith.addf %add3A_68, %concatenate3A_73 : vector<128x128xf32>
    %broadcast_in_dim3A_75 = arith.constant 0.000000e+00 : f32
    %broadcast_in_dim3A_76 = vector.broadcast %broadcast_in_dim3A_75 : f32 to vector<128x128xf32>
    %slice3A_77 = vector.extract_strided_slice %broadcast_in_dim3A_76 {offsets = [0, 0], sizes = [128, 16], strides = [1, 1]} : vector<128x128xf32> to vector<128x16xf32>
    %slice3A_78 = vector.extract_strided_slice %add3A_74 {offsets = [0, 0], sizes = [128, 112], strides = [1, 1]} : vector<128x128xf32> to vector<128x112xf32>
    %concatenate3A_79 = tpu.concatenate %slice3A_77, %slice3A_78 in 1 : vector<128x16xf32>, vector<128x112xf32> -> vector<128x128xf32>
    %add3A_80 = arith.addf %add3A_74, %concatenate3A_79 : vector<128x128xf32>
    %broadcast_in_dim3A_81 = arith.constant 0.000000e+00 : f32
    %broadcast_in_dim3A_82 = vector.broadcast %broadcast_in_dim3A_81 : f32 to vector<128x128xf32>
    %slice3A_83 = vector.extract_strided_slice %broadcast_in_dim3A_82 {offsets = [0, 0], sizes = [128, 32], strides = [1, 1]} : vector<128x128xf32> to vector<128x32xf32>
    %slice3A_84 = vector.extract_strided_slice %add3A_80 {offsets = [0, 0], sizes = [128, 96], strides = [1, 1]} : vector<128x128xf32> to vector<128x96xf32>
    %concatenate3A_85 = tpu.concatenate %slice3A_83, %slice3A_84 in 1 : vector<128x32xf32>, vector<128x96xf32> -> vector<128x128xf32>
    %add3A_86 = arith.addf %add3A_80, %concatenate3A_85 : vector<128x128xf32>
    %broadcast_in_dim3A_87 = arith.constant 0.000000e+00 : f32
    %broadcast_in_dim3A_88 = vector.broadcast %broadcast_in_dim3A_87 : f32 to vector<128x128xf32>
    %slice3A_89 = vector.extract_strided_slice %broadcast_in_dim3A_88 {offsets = [0, 0], sizes = [128, 64], strides = [1, 1]} : vector<128x128xf32> to vector<128x64xf32>
    %slice3A_90 = vector.extract_strided_slice %add3A_86 {offsets = [0, 0], sizes = [128, 64], strides = [1, 1]} : vector<128x128xf32> to vector<128x64xf32>
    %concatenate3A_91 = tpu.concatenate %slice3A_89, %slice3A_90 in 1 : vector<128x64xf32>, vector<128x64xf32> -> vector<128x128xf32>
    %add3A_92 = arith.addf %add3A_86, %concatenate3A_91 : vector<128x128xf32>
    %sub3A_93 = arith.subf %add3A_92, %reduce_sum3A_3 : vector<128x128xf32>
    %add3A_94 = vector.broadcast %broadcast_in_dim3A_50 : vector<128x1xf32> to vector<128x128xf32>
    %add3A_95 = arith.addf %sub3A_93, %add3A_94 : vector<128x128xf32>
    %reduce_sum3A_96 = vector.shape_cast %reduce_sum3A_3 : vector<128x128xf32> to vector<1x128x128xf32>
    %reduce_sum3A_97 = arith.constant dense<0.000000e+00> : vector<1xf32>
    %reduce_sum3A_98 = vector.multi_reduction <add>, %reduce_sum3A_96, %reduce_sum3A_97 [1, 2] : vector<1x128x128xf32> to vector<1xf32>
    %reduce_sum3A_99 = vector.shape_cast %reduce_sum3A_98 : vector<1xf32> to vector<1x1x1xf32>
    %reduce_sum3A_100 = vector.extract %reduce_sum3A_99[0, 0, 0] : f32 from vector<1x1x1xf32>
    %sub3A_101 = vector.broadcast %reduce_sum3A_100 : f32 to vector<128x128xf32>
    %sub3A_102 = arith.subf %sub3A_101, %add3A_95 : vector<128x128xf32>
    %iota3A = tpu.iota {dimensions = array<i32: 0>} : vector<128x128xi32>
    %iota3A_103 = tpu.iota {dimensions = array<i32: 1>} : vector<128x128xi32>
    %mul3A = arith.constant 128 : i32
    %mul3A_104 = vector.broadcast %mul3A : i32 to vector<128x128xi32>
    %mul3A_105 = arith.muli %iota3A, %mul3A_104 : vector<128x128xi32>
    %add3A_106 = arith.addi %mul3A_105, %iota3A_103 : vector<128x128xi32>
    %ge3A = arith.constant 8.388600e+05 : f32
    %ge3A_107 = vector.broadcast %ge3A : f32 to vector<128x128xf32>
    %ge3A_108 = arith.cmpf oge, %sub3A_102, %ge3A_107 : vector<128x128xf32>
    %jit3A = arith.constant -1 : i32
    %broadcast_in_dim3A_109 = vector.broadcast %jit3A : i32 to vector<128x128xi32>
    %select_n3A = arith.select %ge3A_108, %add3A_106, %broadcast_in_dim3A_109 : vector<128x128xi1>, vector<128x128xi32>
    %reduce_max3A = vector.shape_cast %select_n3A : vector<128x128xi32> to vector<1x128x128xi32>
    %reduce_max3A_110 = arith.constant dense<-2147483648> : vector<1xi32>
    %reduce_max3A_111 = vector.multi_reduction <maxsi>, %reduce_max3A, %reduce_max3A_110 [1, 2] : vector<1x128x128xi32> to vector<1xi32>
    %reduce_max3A_112 = vector.shape_cast %reduce_max3A_111 : vector<1xi32> to vector<1x1x1xi32>
    %reduce_max3A_113 = vector.extract %reduce_max3A_112[0, 0, 0] : i32 from vector<1x1x1xi32>
    %gt3A = vector.broadcast %reduce_max3A_113 : i32 to vector<128x128xi32>
    %gt3A_114 = arith.cmpi sgt, %add3A_106, %gt3A : vector<128x128xi32>
    %eq3A = vector.broadcast %reduce_max3A_113 : i32 to vector<128x128xi32>
    %eq3A_115 = arith.cmpi eq, %add3A_106, %eq3A : vector<128x128xi32>
    %jit3A_116 = arith.constant 0.000000e+00 : f32
    %broadcast_in_dim3A_117 = vector.broadcast %jit3A_116 : f32 to vector<128x128xf32>
    %select_n3A_118 = arith.select %gt3A_114, %reduce_sum3A_3, %broadcast_in_dim3A_117 : vector<128x128xi1>, vector<128x128xf32>
    %reduce_sum3A_119 = vector.shape_cast %select_n3A_118 : vector<128x128xf32> to vector<1x128x128xf32>
    %reduce_sum3A_120 = arith.constant dense<0.000000e+00> : vector<1xf32>
    %reduce_sum3A_121 = vector.multi_reduction <add>, %reduce_sum3A_119, %reduce_sum3A_120 [1, 2] : vector<1x128x128xf32> to vector<1xf32>
    %reduce_sum3A_122 = vector.shape_cast %reduce_sum3A_121 : vector<1xf32> to vector<1x1x1xf32>
    %reduce_sum3A_123 = vector.extract %reduce_sum3A_122[0, 0, 0] : f32 from vector<1x1x1xf32>
    %jit3A_124 = arith.constant 0.000000e+00 : f32
    %broadcast_in_dim3A_125 = vector.broadcast %jit3A_124 : f32 to vector<128x128xf32>
    %select_n3A_126 = arith.select %gt3A_114, %reduce_sum3A_9, %broadcast_in_dim3A_125 : vector<128x128xi1>, vector<128x128xf32>
    %reduce_sum3A_127 = vector.shape_cast %select_n3A_126 : vector<128x128xf32> to vector<1x128x128xf32>
    %reduce_sum3A_128 = arith.constant dense<0.000000e+00> : vector<1xf32>
    %reduce_sum3A_129 = vector.multi_reduction <add>, %reduce_sum3A_127, %reduce_sum3A_128 [1, 2] : vector<1x128x128xf32> to vector<1xf32>
    %reduce_sum3A_130 = vector.shape_cast %reduce_sum3A_129 : vector<1xf32> to vector<1x1x1xf32>
    %reduce_sum3A_131 = vector.extract %reduce_sum3A_130[0, 0, 0] : f32 from vector<1x1x1xf32>
    %jit3A_132 = arith.constant 0.000000e+00 : f32
    %broadcast_in_dim3A_133 = vector.broadcast %jit3A_132 : f32 to vector<128x128xf32>
    %select_n3A_134 = arith.select %eq3A_115, %reduce_sum3A_3, %broadcast_in_dim3A_133 : vector<128x128xi1>, vector<128x128xf32>
    %reduce_sum3A_135 = vector.shape_cast %select_n3A_134 : vector<128x128xf32> to vector<1x128x128xf32>
    %reduce_sum3A_136 = arith.constant dense<0.000000e+00> : vector<1xf32>
    %reduce_sum3A_137 = vector.multi_reduction <add>, %reduce_sum3A_135, %reduce_sum3A_136 [1, 2] : vector<1x128x128xf32> to vector<1xf32>
    %reduce_sum3A_138 = vector.shape_cast %reduce_sum3A_137 : vector<1xf32> to vector<1x1x1xf32>
    %reduce_sum3A_139 = vector.extract %reduce_sum3A_138[0, 0, 0] : f32 from vector<1x1x1xf32>
    %jit3A_140 = arith.constant 0.000000e+00 : f32
    %broadcast_in_dim3A_141 = vector.broadcast %jit3A_140 : f32 to vector<128x128xf32>
    %select_n3A_142 = arith.select %eq3A_115, %reduce_sum3A_9, %broadcast_in_dim3A_141 : vector<128x128xi1>, vector<128x128xf32>
    %reduce_sum3A_143 = vector.shape_cast %select_n3A_142 : vector<128x128xf32> to vector<1x128x128xf32>
    %reduce_sum3A_144 = arith.constant dense<0.000000e+00> : vector<1xf32>
    %reduce_sum3A_145 = vector.multi_reduction <add>, %reduce_sum3A_143, %reduce_sum3A_144 [1, 2] : vector<1x128x128xf32> to vector<1xf32>
    %reduce_sum3A_146 = vector.shape_cast %reduce_sum3A_145 : vector<1xf32> to vector<1x1x1xf32>
    %reduce_sum3A_147 = vector.extract %reduce_sum3A_146[0, 0, 0] : f32 from vector<1x1x1xf32>
    %sub3A_148 = arith.constant 8.388600e+05 : f32
    %sub3A_149 = arith.subf %sub3A_148, %reduce_sum3A_123 : f32
    %max3A = arith.constant 1.000000e+00 : f32
    %max3A_150 = arith.maximumf %reduce_sum3A_139, %max3A : f32
    %div3A = arith.divf %reduce_sum3A_147, %max3A_150 : f32
    %mul3A_151 = arith.mulf %sub3A_149, %div3A : f32
    %add3A_152 = arith.addf %reduce_sum3A_131, %mul3A_151 : f32
    %div3A_153 = arith.constant 8.388600e+05 : f32
    %div3A_154 = arith.divf %add3A_152, %div3A_153 : f32
    %broadcast_in_dim3A_155 = vector.broadcast %div3A_154 : f32 to vector<1x1xf32>
    %swap3A = arith.constant 0 : index
    %swap3A_156 = arith.constant 0 : index
    %swap3A_157 = vector.load %arg2[%swap3A, %swap3A_156] : memref<1x1xf32, #tpu.memory_space<vmem>>, vector<1x1xf32>
    tpu.vector_store %arg2[%swap3A, %swap3A_156], %broadcast_in_dim3A_155 {strides = array<i32>} : memref<1x1xf32, #tpu.memory_space<vmem>>, vector<1x1xf32>,
    return
  }
}

</mosaic_0001>

<sc_bundles>
// kernel: kernel.5.cloned.1.call-start
scs
__scs_entry_jumppad:
0x0: {  	(pc) =	sbr.rel $0x88, $3  }
0x1: {  	(tag) =	ssettag $0x0;
	lr =	simm.s32 $0x1  }
0x2: {  	[smem:$0x3F9F] =	sst lr;
	_ =	strace $0xD0000000  }
0x3: {  	_ = 	snop  }
0x4: {  	_ = 	snop  }
0x5: {  	_ = 	snop  }
0x6: {  	_ = 	snop  }
0x7: {  	_ = 	snop  }
__scs_overlays_trampoline_lowered:
0x8: {  	[smem:$0x3FAE] =	sst s0  }
0x9: {  	[smem:$0x3FAF] =	sst s1  }
0xa: {  	[smem:$0x3FB0] =	sst s2  }
0xb: {  	[smem:$0x3FB1] =	sst s3  }
0xc: {  	[smem:$0x3FB2] =	sst s4  }
0xd: {  	[smem:$0x3FB3] =	sst s5  }
0xe: {  	[smem:$0x3FB4] =	sst s6  }
0xf: {  	[smem:$0x3FB5] =	sst s7  }
0x10: {  	[smem:$0x3FB6] =	sst s8  }
0x11: {  	[smem:$0x3FB7] =	sst s9;
	s0 =	simm.s32 @!p0 $0x0  }
0x12: {  	s1 =	sld [smem:$0x3F9D];
	s0 =	simm.s32 @p0 $0x1  }
0x13: {  	[smem:$0x3FB8] =	sst s0;
	s0 =	simm.s32 @!p1 $0x0  }
0x14: {  	s2 =	sld [smem:$0x3F9C];
	s0 =	simm.s32 @p1 $0x1  }
0x15: {  	[smem:$0x3FB9] =	sst s0;
	s0 =	simm.s32 @!p2 $0x0  }
0x16: {  	s3 =	sld [smem:$0x3FDB];
	s0 =	simm.s32 @p2 $0x1  }
0x17: {  	s4 =	simm.s32 $0x1BF5;
	[smem:$0x3FBB] =	sst s0  }
0x18: {  	s0 =	sld [smem:$0x3F9E];
	_ =	swait.ge [sflag:s4], $0x0  }
0x19: {  	s7 =	sld [smem:$0x3F9F]  }
0x1a: {  	s8 =	sadd.s32 $0xFFFFE003, lr  }
0x1b: {  	s9 =	sadd.s32 $0xFFFFFEF7, lr;
	s5 =	simm.s32 $0xFFFFFFFF;
	p2 =	slt.u32 s8, $0xFFFFF086  }
0x1c: {  	p1 =	slt.u32 s9, $0xF7A;
	s5 =	simm.s32 @!p2 $0x0  }
0x1d: {  	s5 =	simm.s32 @p1 $0x1;
	p0 =	seq.s32 s7, s2  }
0x1e: {  	s7 =	smul.u32 @!p0 $0xF7A, s2;
	p2 =	seq.s32 @!p0 s5, $0x0  }
0x1f: {  	s9 =	smul.u32 $0xF7A, s1;
	s8 =	simm.s32 @!p0 $0x1BF5;
	p2 =	por !p2, p0  }
0x20: {  	[sflag:s8] =	ssyncset.s32 @!p0 $0xFFFFF086;
	s6 =	sadd.s32 @!p0 s3, s7;
	s7 =	simm.s32 @!p0 $0x108  }
0x21: {  	s3 =	sadd.s32 s3, s9;
	s6 =	sadd.s32 @!p0 $0x88, s6;
	s7 =	simm.s32 @p2 $0x1082  }
0x22: {  	[simem:s7], [sflag:s8] =	dma.local @!p0 [hbm:s6], $0xF7A  }
0x23: {  	s9 =	sor.u32 $0xD0000000, s2;
	s6 =	simm.s32 $0x108;
	_ =	swait.ge @!p0 [sflag:s8], $0x0  }
0x24: {  	s3 =	sadd.s32 $0x88, s3;
	s6 =	simm.s32 @!p1 $0x1082;
	[sflag:s4] =	ssyncset.s32 $0xFFFFF086  }
0x25: {  	[simem:s6], [sflag:s4] =	dma.local [hbm:s3], $0xF7A  }
0x26: {  	[smem:$0x3F9F] =	sst s1;
	(tag) =	ssettag s2;
	_ =	strace s9  }
0x27: {  	s1 =	sld [smem:$0x3FAF]  }
0x28: {  	s2 =	sld [smem:$0x3FB0]  }
0x29: {  	s4 =	sld [smem:$0x3FB2]  }
0x2a: {  	p0 =	seq.s32 s5, $0x0;
	s5 =	sld [smem:$0x3FB3]  }
0x2b: {  	s6 =	sld [smem:$0x3FB4]  }
0x2c: {  	s7 =	sld [smem:$0x3FB5]  }
0x2d: {  	s3 =	simm.s32 $0x108;
	s8 =	sld [smem:$0x3FB6]  }
0x2e: {  	s3 =	simm.s32 @!p0 $0x1082;
	s9 =	sld [smem:$0x3FB7]  }
0x2f: {  	lr =	sadd.s32 s0, s3;
	s0 =	sld [smem:$0x3FAE]  }
0x30: {  	s3 =	sld [smem:$0x3FB1]  }
0x31: {  	[smem:$0x3FBA] =	sst s10  }
0x32: {  	s10 =	sld [smem:$0x3FB8];
	_ =	sdelay $0x3  }
0x33: {  	p0 =	seq.s32 s10, $0x1;
	s10 =	sld [smem:$0x3FBA];
	_ =	sdelay $0x3  }
0x34: {  	[smem:$0x3FBA] =	sst s10  }
0x35: {  	s10 =	sld [smem:$0x3FB9];
	_ =	sdelay $0x3  }
0x36: {  	p1 =	seq.s32 s10, $0x1;
	s10 =	sld [smem:$0x3FBA];
	_ =	sdelay $0x3  }
0x37: {  	[smem:$0x3FBA] =	sst s10  }
0x38: {  	s10 =	sld [smem:$0x3FBB]  }
0x39: {  	_ = 	snop;
	(pc) =	sbr.ind lr, $3  }
0x3a: {  	_ = 	snop  }
0x3b: {  	_ = 	snop  }
0x3c: {  	p2 =	seq.s32 s10, $0x1;
	s10 =	sld [smem:$0x3FBA]  }
0x3d: {  	_ =	shalt  }
0x3e: {  	_ =	shalt  }
0x3f: {  	_ =	shalt  }
0x40: {  	_ =	shalt  }
0x41: {  	_ =	shalt  }
0x42: {  	_ =	shalt  }
0x43: {  	_ =	shalt  }
0x44: {  	_ =	shalt  }
0x45: {  	_ =	shalt  }
0x46: {  	_ =	shalt  }
0x47: {  	_ =	shalt  }
0x48: {  	_ =	shalt  }
0x49: {  	_ =	shalt  }
0x4a: {  	_ =	shalt  }
0x4b: {  	_ =	shalt  }
0x4c: {  	_ =	shalt  }
0x4d: {  	_ =	shalt  }
0x4e: {  	_ =	shalt  }
0x4f: {  	_ =	shalt  }
0x50: {  	_ =	shalt  }
0x51: {  	_ =	shalt  }
0x52: {  	_ =	shalt  }
0x53: {  	_ =	shalt  }
0x54: {  	_ =	shalt  }
0x55: {  	_ =	shalt  }
0x56: {  	_ =	shalt  }
0x57: {  	_ =	shalt  }
0x58: {  	_ =	shalt  }
0x59: {  	_ =	shalt  }
0x5a: {  	_ =	shalt  }
0x5b: {  	_ =	shalt  }
0x5c: {  	_ =	shalt  }
0x5d: {  	_ =	shalt  }
0x5e: {  	_ =	shalt  }
0x5f: {  	_ =	shalt  }
0x60: {  	_ =	shalt  }
0x61: {  	_ =	shalt  }
0x62: {  	_ =	shalt  }
0x63: {  	_ =	shalt  }
0x64: {  	_ =	shalt  }
0x65: {  	_ =	shalt  }
0x66: {  	_ =	shalt  }
0x67: {  	_ =	shalt  }
0x68: {  	_ =	shalt  }
0x69: {  	_ =	shalt  }
0x6a: {  	_ =	shalt  }
0x6b: {  	_ =	shalt  }
0x6c: {  	_ =	shalt  }
0x6d: {  	_ =	shalt  }
0x6e: {  	_ =	shalt  }
0x6f: {  	_ =	shalt  }
0x70: {  	_ =	shalt  }
0x71: {  	_ =	shalt  }
0x72: {  	_ =	shalt  }
0x73: {  	_ =	shalt  }
0x74: {  	_ =	shalt  }
0x75: {  	_ =	shalt  }
0x76: {  	_ =	shalt  }
0x77: {  	_ =	shalt  }
0x78: {  	_ =	shalt  }
0x79: {  	_ =	shalt  }
0x7a: {  	_ =	shalt  }
0x7b: {  	_ =	shalt  }
0x7c: {  	_ =	shalt  }
0x7d: {  	_ =	shalt  }
0x7e: {  	_ =	shalt  }
0x7f: {  	_ =	shalt  }
0x80: {  	_ =	shalt  }
0x81: {  	_ =	shalt  }
0x82: {  	_ =	shalt  }
0x83: {  	_ =	shalt  }
0x84: {  	_ =	shalt  }
0x85: {  	_ =	shalt  }
0x86: {  	_ =	shalt  }
0x87: {  	_ =	shalt  }
.Lfunc_end0:
.L_simem_size_0:
called_computation_lowered:
.L_overlay_start_0:
0x88: {  	s2 =	sld [smem:$0x3FD9]  }
0x89: {  	s3 =	sld [smem:$0x3FFE];
	_ =	sdelay $0x1  }
0x8a: {  	s1 =	srdreg.scid  }
0x8b: {  	s0 =	sand.u32 $0x1, s1  }
0x8c: {  	s16 =	sshll.u32 s0, $0xA;
	s2 =	sadd.s32 s3, s2  }
0x8d: {  	s2 =	sadd.s32 s2, s16  }
0x8e: {  	[smem:$0x3FC6] =	sst s2  }
0x8f: {  	_ = 	snop  }
0x90: {  	(tm) =	ssettm $0x1  }
0x91: {  	s17 =	sld [smem:$0x3FFB];
	_ =	sdelay $0x3  }
0x92: {  	_ =	strace s17  }
0x93: {  	s2 =	sld [smem:$0x3FFC];
	_ =	sdelay $0x3  }
0x94: {  	_ =	strace s2  }
0x95: {  	s2 =	sld [smem:$0x3FFD];
	_ =	sdelay $0x3  }
0x96: {  	_ =	strace s2  }
0x97: {  	_ =	strace $0x8FFFFFFF  }
0x98: {  	s18 =	sld [smem:$0x3FDB];
	_ =	sdelay $0x1  }
0x99: {  	s19 =	simm.s32 $_scs_section_size  }
0x9a: {  	s4 =	simm.s32 $_size__tile_overlayer_lowered;
	s5 =	simm.s32 $_tile_overlayer_lowered  }
0x9b: {  	s22 =	simm.s32 $0x1BFF;
	s21 =	sshll.u32 s5, $0x1;
	s2 =	sadd.s32 s19, s18  }
0x9c: {  	s6 =	simm.s32 $0x0;
	s20 =	sshll.u32 s4, $0x1;
	s4 =	sadd.s32 s21, s2  }
0x9d: {  	[timem:s6], [sflag:s22] =	dma.local [hbm:s4], s20  }
0x9e: {  	_ =	swait.ge [sflag:s22], s20  }
0x9f: {  	s3 =	ssub.s32 $0x0, s20;
	[sflag:s22] =	ssyncset.done $0x0  }
0xa0: {  	[sflag:s22] =	ssyncadd.s32 s3;
	_ =	sdelay $0x1  }
0xa1: {  	s23 =	simm.s32 $0x1B8B  }
0xa2: {  	_ =	swait.ge [sflag:s23], $0x1  }
0xa3: {  	[sflag:s23] =	ssyncset.done $0x0  }
0xa4: {  	s25 =	simm.s32 $0x1B8E;
	s24 =	sld [smem:$0x3FFE];
	[sflag:s23] =	ssyncadd.s32 $0xFFFFFFFF  }
0xa5: {  	s26 =	simm.s32 $execute0_lowered;
	[smem:$0x3FD2] =	sst s25  }
0xa6: {  	s4 =	sshll.u32 s26, $0x1;
	_ =	strace $0x80000046;
	[dreg:$0x1] =	wrdreg $0xFFFFFFFF  }
0xa7: {  	s28 =	simm.s32 $_size_execute0_lowered;
	s2 =	sadd.s32 s2, s4;
	[dreg:$0x0] =	wrdreg $0x0  }
0xa8: {  	s4 =	sshll.u32 s28, $0x1;
	[dreg:$0x2] =	wrdreg s2  }
0xa9: {  	[dreg:$0x3] =	wrdreg s4  }
0xaa: {  	[dreg:$0x4] =	wrdreg $0xC0  }
0xab: {  	_ =	task [dreg:s6], $0x5FFFF  }
0xac: {  	[dreg:$0x1] =	wrdreg $0xFFFFFFFF  }
0xad: {  	[dreg:$0x0] =	wrdreg $0x60  }
0xae: {  	[dreg:$0x2] =	wrdreg s24  }
0xaf: {  	[dreg:$0x3] =	wrdreg $0x9  }
0xb0: {  	_ =	task.clear_ibuf [dreg:s6], $0x4FFFF;
	_ =	strace $0x90000046  }
0xb1: {  	s29 =	simm.s32 $0x9;
	_ =	strace $0x80000048  }
0xb2: {  	_ =	swait.ge [sflag:s29], $0x1  }
0xb3: {  	[sflag:s29] =	ssyncadd.s32 $0xFFFFFFFF  }
0xb4: {  	_ =	strace $0x90000048  }
0xb5: {  	_ =	sfence  }
0xb6: {  	s30 =	sld [smem:$0x0];
	_ =	sdelay $0x2  }
0xb7: {  	s31 =	sshll.u32 s1, $0xD;
	s1 =	sshrl.u32 s1, $0x2  }
0xb8: {  	s3 =	sand.u32 $0x4000, s31;
	s1 =	sadd.s32 s1, s30  }
0xb9: {  	s0 =	sor.u32 s3, s0;
	s1 =	sshll.u32 s1, $0x11  }
0xba: {  	s0 =	sor.u32 s1, s0  }
0xbb: {  	s0 =	sadd.s32 $0x8F2B, s0  }
0xbc: {  	[sflag:s0] =	ssyncadd.remote.s32 $0x1  }
0xbd: {  	_ =	sfence.sel $0xFFFF  }
0xbe: {  	[dreg:$0x0] =	wrdreg $0xFFFFFFFF;
	(pc) =	sbr.abs _section_cstart, $3  }
0xbf: {  	[dreg:$0x1] =	wrdreg $0xFFFFFFFF  }
0xc0: {  	_ =	task.clear_ibuf [dreg:s6], $0x2FFFF;
	_ =	strace $0x9FFFFFFF  }
0xc1: {  	(tm) =	ssettm $0x7FFFFFFF  }
tec
execute0_lowered:
.L_overlay_start_1:
0x0: {  	(tag) =	ssettag $0x1  }
0x1: {  	s3 =	rddreg [dreg:$0x0]  }
0x2: {  	s0 =	rddreg [dreg:$0x1]  }
0x3: {  	s2 =	simm.s32 $0x0;
	s4 =	srdreg.scid;
	s1 =	stileid.u32  }
0x4: {  	s8 =	simm.s32 $0x8000;
	s9 =	simm.s32 $0xC000;
	s10 =	simm.s32 $0x2  }
0x5: {  	[smem:$0x7FF] =	sst s2;
	s4 =	sand.u32 $0x1, s4;
	s5 =	sshll.u32 s1, $0x1  }
0x6: {  	s11 =	simm.s32 $0x0;
	_ =	strace $0x80000047;
	s5 =	sor.u32 s4, s5  }
0x7: {  	s4 =	ssub.s32 $0x2, s4;
	s6 =	sshll.u32 s5, $0xC;
	s5 =	sshll.u32 s5, $0xB  }
0x8: {  	s7 =	sshrl.u32 s4, $0x1;
	s6 =	sadd.s32 s6, s3;
	s5 =	sadd.s32 s5, s3  }
0x9: {  	s7 =	ssub.s32 s4, s7;
	s3 =	sadd.s32 $0xE00, s6;
	s4 =	sadd.s32 $0x20E00, s5  }
0xa: {  	v0 =	vimm.f32 $0.0e+00;
	v1 =	vimm.f32 $1.000000000e+00;
	s5 =	sadd.s32 $0x30E00, s5;
	s6 =	smax.u32 s7, $0x1;
	s7 =	simm.s32 $0x1  }
.LBB2_1:
0xb: {  	[tilespmem:s2], [sflag:$0x1] =	stream.linear.gather [hbm4b:s3+s2], $0x8000, $0x38;
	[tilespmem:$0x10000] =	vst v63  }
0xc: {  	s12 =	simm.s32 $0x8040  }
0xd: {  	[tilespmem:s12+$0x30] =	vst v0  }
0xe: {  	[tilespmem:s12+$0xFFFFFFF0] =	vst v0  }
0xf: {  	[tilespmem:s12+$0xFFFFFFC0] =	vst v0  }
0x10: {  	[tilespmem:s12+$0xFFFFFFE0] =	vst v0  }
0x11: {  	[tilespmem:s12+$0x10] =	vst v0  }
0x12: {  	[tilespmem:s12+$0x20] =	vst v0  }
0x13: {  	[tilespmem:s12+$0x0] =	vst v0  }
0x14: {  	s13 =	simm.s32 $0xC040;
	[tilespmem:s12+$0xFFFFFFD0] =	vst v0  }
0x15: {  	[tilespmem:s13+$0xFFFFFFC0] =	vst v0  }
0x16: {  	[tilespmem:s13+$0x30] =	vst v0  }
0x17: {  	[tilespmem:s13+$0x20] =	vst v0  }
0x18: {  	[tilespmem:s13+$0x10] =	vst v0  }
0x19: {  	[tilespmem:s13+$0xFFFFFFE0] =	vst v0  }
0x1a: {  	[tilespmem:s13+$0x0] =	vst v0  }
0x1b: {  	s14 =	simm.s32 $0x0;
	[tilespmem:s13+$0xFFFFFFF0] =	vst v0  }
.LBB2_2:
0x1c: {  	s14 =	sadd.s32 $0x80, s14;
	[tilespmem:s13+$0xFFFFFFD0] =	vst v0;
	s12 =	sadd.s32 $0x80, s12;
	s13 =	sadd.s32 $0x80, s13  }
0x1d: {  	[tilespmem:s12+$0x30] =	vst v0;
	p0 =	slt.u32 s14, $0x3F80  }
0x1e: {  	[tilespmem:s12+$0xFFFFFFF0] =	vst v0  }
0x1f: {  	[tilespmem:s12+$0xFFFFFFC0] =	vst v0  }
0x20: {  	[tilespmem:s13+$0xFFFFFFC0] =	vst v0  }
0x21: {  	[tilespmem:s13+$0x30] =	vst v0  }
0x22: {  	[tilespmem:s12+$0xFFFFFFE0] =	vst v0  }
0x23: {  	[tilespmem:s12+$0x10] =	vst v0  }
0x24: {  	[tilespmem:s12+$0x20] =	vst v0  }
0x25: {  	[tilespmem:s13+$0x20] =	vst v0  }
0x26: {  	[tilespmem:s13+$0x10] =	vst v0  }
.Ltmp0:
0x27: {  	[tilespmem:s13+$0xFFFFFFE0] =	vst v0;
	(pc) =	sbr.rel @p0 .LBB2_2-.Ltmp0, $4  }
0x28: {  	[tilespmem:s12+$0x0] =	vst v0  }
0x29: {  	[tilespmem:s13+$0x0] =	vst v0  }
0x2a: {  	[tilespmem:s13+$0xFFFFFFF0] =	vst v0  }
0x2b: {  	[tilespmem:s12+$0xFFFFFFD0] =	vst v0  }
0x2c: {  	[tilespmem:s13+$0xFFFFFFD0] =	vst v0  }
0x2d: {  	_ =	swait.ge [sflag:s7], $0x8000  }
0x2e: {  	[sflag:s7] =	ssyncset.done $0x0  }
0x2f: {  	s12 =	simm.s32 $0x80;
	[sflag:s7] =	ssyncadd.s32 $0xFFFF8000  }
0x30: {  	v6 =	vld [tilespmem:s12+$0xFFFFFFF0]  }
0x31: {  	v16 =	vld [tilespmem:s12+$0x0]  }
0x32: {  	v7 =	vld [tilespmem:s12+$0xFFFFFF80]  }
0x33: {  	v9 =	vld [tilespmem:s12+$0x70]  }
0x34: {  	v10 =	vld [tilespmem:s12+$0x60]  }
0x35: {  	v12 =	vld [tilespmem:s12+$0x40]  }
0x36: {  	v2 =	vld [tilespmem:s12+$0xFFFFFFA0]  }
0x37: {  	v3 =	vld [tilespmem:s12+$0xFFFFFFB0];
	vm0 =	vgt.s32 v7, $0x0  }
0x38: {  	v5 =	vld [tilespmem:s12+$0xFFFFFFC0];
	vm14 =	vgt.s32 v9, $0x0;
	v8 =	vnsel vm0, $0x0, v7  }
0x39: {  	v4 =	vld [tilespmem:s12+$0xFFFFFF90];
	vm15 =	vgt.s32 v10, $0x0;
	v15 =	vnsel vm14, $0x0, v9;
	v8 =	vshrl.u32 v8, $0x11  }
0x3a: {  	v11 =	vld [tilespmem:s12+$0x50];
	vm1 =	vgt.s32 v12, $0x0;
	v18 =	vnsel vm15, $0x0, v10;
	v15 =	vshrl.u32 v15, $0x11  }
0x3b: {  	v13 =	vld [tilespmem:s12+$0x30];
	v19 =	vnsel vm1, $0x0, v12;
	v18 =	vshrl.u32 v18, $0x11  }
0x3c: {  	v14 =	vld [tilespmem:s12+$0x20];
	v19 =	vshrl.u32 v19, $0x11  }
0x3d: {  	v17 =	vld [tilespmem:s12+$0x10]  }
0x3e: {  	[tilespmem:v8+s8+$0x0] =	vst.idx.add.f32.msk $0xffff, v1  }
0x3f: {  	[tilespmem:v15+s8+$0x0] =	vst.idx.add.f32.msk $0xffff, v1  }
0x40: {  	[tilespmem:v18+s8+$0x0] =	vst.idx.add.f32.msk $0xffff, v1  }
0x41: {  	vm4 =	vgt.s32 v11, $0x0;
	[tilespmem:v19+s8+$0x0] =	vst.idx.add.f32.msk $0xffff, v1  }
0x42: {  	vm5 =	vgt.s32 v13, $0x0;
	[tilespmem:v8+s9+$0x0] =	vst.idx.add.f32.msk $0xffff, v7;
	v8 =	vnsel vm4, $0x0, v11  }
0x43: {  	vm6 =	vgt.s32 v14, $0x0;
	[tilespmem:v15+s9+$0x0] =	vst.idx.add.f32.msk $0xffff, v9;
	v9 =	vnsel vm5, $0x0, v13;
	v20 =	vshrl.u32 v8, $0x11  }
0x44: {  	v7 =	vld [tilespmem:s12+$0xFFFFFFE0];
	v15 =	vnsel vm6, $0x0, v14;
	v21 =	vshrl.u32 v9, $0x11  }
0x45: {  	[tilespmem:v18+s9+$0x0] =	vst.idx.add.f32.msk $0xffff, v10;
	v15 =	vshrl.u32 v15, $0x11  }
0x46: {  	vm7 =	vgt.s32 v17, $0x0;
	[tilespmem:v19+s9+$0x0] =	vst.idx.add.f32.msk $0xffff, v12  }
0x47: {  	v8 =	vld [tilespmem:s12+$0xFFFFFFD0];
	v9 =	vnsel vm7, $0x0, v17  }
0x48: {  	vm8 =	vgt.s32 v16, $0x0;
	v62 =	vshrl.u32 v9, $0x11;
	[tilespmem:v20+s8+$0x0] =	vst.idx.add.f32.msk $0xffff, v1  }
0x49: {  	v9 =	vnsel vm8, $0x0, v16;
	[tilespmem:v21+s8+$0x0] =	vst.idx.add.f32.msk $0xffff, v1  }
0x4a: {  	v63 =	vshrl.u32 v9, $0x11;
	[tilespmem:v15+s8+$0x0] =	vst.idx.add.f32.msk $0xffff, v1  }
0x4b: {  	vm9 =	vgt.s32 v6, $0x0;
	vm12 =	vgt.s32 v5, $0x0;
	vm13 =	vgt.s32 v3, $0x0;
	[tilespmem:v20+s9+$0x0] =	vst.idx.add.f32.msk $0xffff, v11  }
0x4c: {  	vm14 =	vgt.s32 v2, $0x0;
	vm15 =	vgt.s32 v4, $0x0;
	v9 =	vnsel vm9, $0x0, v6;
	[tilespmem:v21+s9+$0x0] =	vst.idx.add.f32.msk $0xffff, v13  }
0x4d: {  	v9 =	vshrl.u32 v9, $0x11;
	vm10 =	vgt.s32 v7, $0x0;
	vm11 =	vgt.s32 v8, $0x0;
	[tilespmem:v62+s8+$0x0] =	vst.idx.add.f32.msk $0xffff, v1  }
0x4e: {  	v12 =	vnsel vm12, $0x0, v5;
	v10 =	vnsel vm10, $0x0, v7;
	v11 =	vnsel vm11, $0x0, v8;
	[tilespmem:v15+s9+$0x0] =	vst.idx.add.f32.msk $0xffff, v14  }
0x4f: {  	v10 =	vshrl.u32 v10, $0x11;
	v14 =	vnsel vm13, $0x0, v3;
	v13 =	vshrl.u32 v12, $0x11;
	[tilespmem:v63+s8+$0x0] =	vst.idx.add.f32.msk $0xffff, v1  }
0x50: {  	v12 =	vnsel vm14, $0x0, v2;
	v15 =	vnsel vm15, $0x0, v4;
	v11 =	vshrl.u32 v11, $0x11;
	[tilespmem:v62+s9+$0x0] =	vst.idx.add.f32.msk $0xffff, v17  }
0x51: {  	s13 =	simm.s32 $0x0;
	v14 =	vshrl.u32 v14, $0x11;
	v12 =	vshrl.u32 v12, $0x11;
	v15 =	vshrl.u32 v15, $0x11;
	[tilespmem:v63+s9+$0x0] =	vst.idx.add.f32.msk $0xffff, v16  }
.LBB2_4:
0x52: {  	s13 =	sadd.s32 $0x100, s13;
	[tilespmem:v9+s8+$0x0] =	vst.idx.add.f32.msk $0xffff, v1;
	s12 =	sadd.s32 $0x100, s12  }
0x53: {  	p0 =	slt.u32 s13, $0x7F00;
	[tilespmem:v9+s9+$0x0] =	vst.idx.add.f32.msk $0xffff, v6  }
0x54: {  	[tilespmem:v10+s8+$0x0] =	vst.idx.add.f32.msk $0xffff, v1  }
0x55: {  	[tilespmem:v11+s8+$0x0] =	vst.idx.add.f32.msk $0xffff, v1  }
0x56: {  	[tilespmem:v10+s9+$0x0] =	vst.idx.add.f32.msk $0xffff, v7  }
0x57: {  	[tilespmem:v13+s8+$0x0] =	vst.idx.add.f32.msk $0xffff, v1  }
0x58: {  	[tilespmem:v11+s9+$0x0] =	vst.idx.add.f32.msk $0xffff, v8  }
0x59: {  	[tilespmem:v13+s9+$0x0] =	vst.idx.add.f32.msk $0xffff, v5  }
0x5a: {  	[tilespmem:v14+s8+$0x0] =	vst.idx.add.f32.msk $0xffff, v1  }
0x5b: {  	[tilespmem:v14+s9+$0x0] =	vst.idx.add.f32.msk $0xffff, v3  }
0x5c: {  	[tilespmem:v12+s8+$0x0] =	vst.idx.add.f32.msk $0xffff, v1  }
0x5d: {  	[tilespmem:v15+s8+$0x0] =	vst.idx.add.f32.msk $0xffff, v1  }
0x5e: {  	[tilespmem:v15+s9+$0x0] =	vst.idx.add.f32.msk $0xffff, v4  }
0x5f: {  	[tilespmem:v12+s9+$0x0] =	vst.idx.add.f32.msk $0xffff, v2  }
0x60: {  	v6 =	vld [tilespmem:s12+$0xFFFFFFF0]  }
0x61: {  	v16 =	vld [tilespmem:s12+$0x0]  }
0x62: {  	v7 =	vld [tilespmem:s12+$0xFFFFFF80]  }
0x63: {  	v2 =	vld [tilespmem:s12+$0xFFFFFFA0]  }
0x64: {  	v3 =	vld [tilespmem:s12+$0xFFFFFFB0]  }
0x65: {  	v5 =	vld [tilespmem:s12+$0xFFFFFFC0]  }
0x66: {  	v9 =	vld [tilespmem:s12+$0x70]  }
0x67: {  	vm0 =	vgt.s32 v7, $0x0;
	v10 =	vld [tilespmem:s12+$0x60]  }
0x68: {  	v8 =	vnsel vm0, $0x0, v7;
	v4 =	vld [tilespmem:s12+$0xFFFFFF90]  }
0x69: {  	v8 =	vshrl.u32 v8, $0x11;
	v12 =	vld [tilespmem:s12+$0x50]  }
0x6a: {  	v14 =	vld [tilespmem:s12+$0x40]  }
0x6b: {  	v17 =	vld [tilespmem:s12+$0x30];
	vm0 =	vgt.s32 v9, $0x0  }
0x6c: {  	v18 =	vld [tilespmem:s12+$0x20];
	vm1 =	vgt.s32 v10, $0x0;
	v11 =	vnsel vm0, $0x0, v9  }
0x6d: {  	v19 =	vld [tilespmem:s12+$0x10];
	v13 =	vnsel vm1, $0x0, v10;
	v11 =	vshrl.u32 v11, $0x11  }
0x6e: {  	[tilespmem:v8+s8+$0x0] =	vst.idx.add.f32.msk $0xffff, v1;
	vm0 =	vgt.s32 v12, $0x0;
	v13 =	vshrl.u32 v13, $0x11  }
0x6f: {  	[tilespmem:v8+s9+$0x0] =	vst.idx.add.f32.msk $0xffff, v7;
	vm1 =	vgt.s32 v14, $0x0;
	v8 =	vnsel vm0, $0x0, v12  }
0x70: {  	v7 =	vld [tilespmem:s12+$0xFFFFFFE0];
	vm0 =	vgt.s32 v17, $0x0;
	v15 =	vnsel vm1, $0x0, v14;
	v20 =	vshrl.u32 v8, $0x11  }
0x71: {  	v8 =	vld [tilespmem:s12+$0xFFFFFFD0];
	vm1 =	vgt.s32 v18, $0x0;
	v21 =	vnsel vm0, $0x0, v17;
	v15 =	vshrl.u32 v15, $0x11  }
0x72: {  	vm0 =	vgt.s32 v19, $0x0;
	v22 =	vnsel vm1, $0x0, v18;
	v21 =	vshrl.u32 v21, $0x11;
	[tilespmem:v11+s8+$0x0] =	vst.idx.add.f32.msk $0xffff, v1  }
0x73: {  	vm1 =	vgt.s32 v16, $0x0;
	v23 =	vnsel vm0, $0x0, v19;
	v22 =	vshrl.u32 v22, $0x11;
	[tilespmem:v11+s9+$0x0] =	vst.idx.add.f32.msk $0xffff, v9  }
0x74: {  	vm0 =	vgt.s32 v6, $0x0;
	v9 =	vnsel vm1, $0x0, v16;
	v23 =	vshrl.u32 v23, $0x11;
	[tilespmem:v13+s8+$0x0] =	vst.idx.add.f32.msk $0xffff, v1  }
0x75: {  	v11 =	vnsel vm0, $0x0, v6;
	v24 =	vshrl.u32 v9, $0x11;
	vm1 =	vgt.s32 v7, $0x0;
	[tilespmem:v13+s9+$0x0] =	vst.idx.add.f32.msk $0xffff, v10  }
0x76: {  	v9 =	vshrl.u32 v11, $0x11;
	vm0 =	vgt.s32 v8, $0x0;
	v10 =	vnsel vm1, $0x0, v7;
	[tilespmem:v20+s8+$0x0] =	vst.idx.add.f32.msk $0xffff, v1  }
0x77: {  	vm1 =	vgt.s32 v5, $0x0;
	v11 =	vnsel vm0, $0x0, v8;
	v10 =	vshrl.u32 v10, $0x11;
	[tilespmem:v15+s8+$0x0] =	vst.idx.add.f32.msk $0xffff, v1  }
0x78: {  	vm0 =	vgt.s32 v3, $0x0;
	v13 =	vnsel vm1, $0x0, v5;
	v11 =	vshrl.u32 v11, $0x11;
	[tilespmem:v20+s9+$0x0] =	vst.idx.add.f32.msk $0xffff, v12  }
0x79: {  	vm1 =	vgt.s32 v2, $0x0;
	v12 =	vnsel vm0, $0x0, v3;
	v13 =	vshrl.u32 v13, $0x11;
	[tilespmem:v15+s9+$0x0] =	vst.idx.add.f32.msk $0xffff, v14  }
0x7a: {  	vm0 =	vgt.s32 v4, $0x0;
	v15 =	vnsel vm1, $0x0, v2;
	v14 =	vshrl.u32 v12, $0x11;
	[tilespmem:v21+s8+$0x0] =	vst.idx.add.f32.msk $0xffff, v1  }
0x7b: {  	v20 =	vnsel vm0, $0x0, v4;
	v12 =	vshrl.u32 v15, $0x11;
	[tilespmem:v22+s8+$0x0] =	vst.idx.add.f32.msk $0xffff, v1  }
0x7c: {  	v15 =	vshrl.u32 v20, $0x11;
	[tilespmem:v21+s9+$0x0] =	vst.idx.add.f32.msk $0xffff, v17  }
.Ltmp1:
0x7d: {  	[tilespmem:v23+s8+$0x0] =	vst.idx.add.f32.msk $0xffff, v1;
	(pc) =	sbr.rel @p0 .LBB2_4-.Ltmp1, $4  }
0x7e: {  	[tilespmem:v22+s9+$0x0] =	vst.idx.add.f32.msk $0xffff, v18  }
0x7f: {  	[tilespmem:v24+s8+$0x0] =	vst.idx.add.f32.msk $0xffff, v1  }
0x80: {  	[tilespmem:v23+s9+$0x0] =	vst.idx.add.f32.msk $0xffff, v19  }
0x81: {  	[tilespmem:v24+s9+$0x0] =	vst.idx.add.f32.msk $0xffff, v16  }
0x82: {  	_ =	sdelay $0x3  }
0x83: {  	[tilespmem:v9+s8+$0x0] =	vst.idx.add.f32.msk $0xffff, v1  }
0x84: {  	[tilespmem:v10+s8+$0x0] =	vst.idx.add.f32.msk $0xffff, v1  }
0x85: {  	[tilespmem:v11+s8+$0x0] =	vst.idx.add.f32.msk $0xffff, v1  }
0x86: {  	[tilespmem:v13+s8+$0x0] =	vst.idx.add.f32.msk $0xffff, v1  }
0x87: {  	[tilespmem:v14+s8+$0x0] =	vst.idx.add.f32.msk $0xffff, v1  }
0x88: {  	[tilespmem:v12+s8+$0x0] =	vst.idx.add.f32.msk $0xffff, v1  }
0x89: {  	[tilespmem:v15+s8+$0x0] =	vst.idx.add.f32.msk $0xffff, v1  }
0x8a: {  	[tilespmem:v9+s9+$0x0] =	vst.idx.add.f32.msk $0xffff, v6  }
0x8b: {  	[tilespmem:v10+s9+$0x0] =	vst.idx.add.f32.msk $0xffff, v7  }
0x8c: {  	[tilespmem:v11+s9+$0x0] =	vst.idx.add.f32.msk $0xffff, v8  }
0x8d: {  	[tilespmem:v13+s9+$0x0] =	vst.idx.add.f32.msk $0xffff, v5  }
0x8e: {  	[tilespmem:v14+s9+$0x0] =	vst.idx.add.f32.msk $0xffff, v3  }
0x8f: {  	[tilespmem:v15+s9+$0x0] =	vst.idx.add.f32.msk $0xffff, v4  }
0x90: {  	[tilespmem:v12+s9+$0x0] =	vst.idx.add.f32.msk $0xffff, v2  }
0x91: {  	[hbm4b:s4+s2] =	stream.linear.scatter [tilespmem:s8], [sflag:$0x2], $0x4000, $0x38;
	[tilespmem:$0x10000] =	vst v63  }
0x92: {  	s11 =	sadd.s32 $0x1, s11;
	_ =	swait.ge [sflag:s10], $0x4000  }
0x93: {  	p0 =	sne.s32 s11, s6;
	[sflag:s10] =	ssyncset.done $0x0  }
.Ltmp2:
0x94: {  	[sflag:s10] =	ssyncadd.s32 $0xFFFFC000;
	(pc) =	sbr.rel @p0 .LBB2_1-.Ltmp2, $4  }
0x95: {  	[hbm4b:s5+s2] =	stream.linear.scatter [tilespmem:s9], [sflag:$0x2], $0x4000, $0x38;
	[tilespmem:$0x10000] =	vst v63  }
0x96: {  	_ =	swait.ge [sflag:s10], $0x4000  }
0x97: {  	[sflag:s10] =	ssyncset.done $0x0  }
0x98: {  	[sflag:s10] =	ssyncadd.s32 $0xFFFFC000  }
0x99: {  	_ =	sfence.sel $0x180000  }
0x9a: {  	[bflag:$0x0] =	sbarrier.arrive $0xFFFF  }
0x9b: {  	p0 =	sne.s32 s1, $0x0;
	_ =	strace $0x90000047  }
0x9c: {  	s0 =	sadd.s32 @!p0 $0x100000, s0;
	[bflag:$0x2] =	sbarrier.arrive $0xFFFF  }
0x9d: {  	[sflag:s0] =	ssyncadd.tile.s32 @!p0 $0x1;
	_ =	shalt  }
.Lfunc_end2:
_tile_overlayer_lowered:
.L_overlay_start_2:
0x9e: {  	(tag) =	ssettag $0x2  }
0x9f: {  	s0 =	rddreg [dreg:$0x0];
	s2 =	stileid.u32  }
0xa0: {  	s1 =	rddreg [dreg:$0x1];
	p0 =	sne.s32 s2, $0x0  }
0xa1: {  	s3 =	rddreg [dreg:$0x2];
	[bflag:$0x3] =	sbarrier.arrive $0xFFFF;
	s2 =	simm.s32 @!p0 $0x1C02  }
0xa2: {  	[timem:s3], [sflag:s2] =	dma.local @!p0 [hbm:s0], s1  }
0xa3: {  	s0 =	simm.s32 @!p0 $0x2  }
0xa4: {  	_ =	swait.ge @!p0 [sflag:s0], s1  }
0xa5: {  	s1 =	ssub.s32 @!p0 $0x0, s1;
	[sflag:s0] =	ssyncset.done @!p0 $0x0  }
0xa6: {  	[sflag:s0] =	ssyncadd.s32 @!p0 s1  }
0xa7: {  	[bflag:$0x3] =	sbarrier.arrive $0xFFFF  }
0xa8: {  	_ =	shalt  }

</sc_bundles>
